<compile_context>
chip_gen: v7x
topology: tpu7x:2x2x1
jax: 0.10.2.dev20260603
libtpu: 0.0.44.dev20260713+nightly
codegen_flags: <defaults>
</compile_context>

<pallas_src>
import functools

import jax
import jax.numpy as jnp
from jax import lax
from jax.experimental import pallas as pl
from jax.experimental.pallas import tpu as pltpu
from jax.experimental.pallas import tpu_sc as plsc

NBINS = 15
PAD_BINS = 16

NSUB = 16
LANES = 16
IDX_CHUNK = 128


def _sc_gather_body(flat_ref, labels_ref, xl_out,
                    lab_v, idx_v, xl_v, sem, *, rows_per, ncols):
    tid = lax.axis_index("s")
    row0 = tid * rows_per
    nchunks = rows_per // LANES

    pltpu.sync_copy(labels_ref.at[pl.ds(row0, rows_per)], lab_v)

    chunks_per_idx_row = IDX_CHUNK // LANES

    def build_idx(c, carry):
        lab = lab_v[pl.ds(c * LANES, LANES)]
        rows = row0 + c * LANES + lax.iota(jnp.int32, LANES)
        idx = rows * ncols + lab
        j = c // chunks_per_idx_row
        off = (c % chunks_per_idx_row) * LANES
        idx_v[j, pl.ds(off, LANES)] = idx
        return carry

    lax.fori_loop(0, nchunks, build_idx, 0)

    copies = []
    for j in range(rows_per // IDX_CHUNK):
        copies.append(
            pltpu.async_copy(
                flat_ref.at[idx_v.at[j]],
                xl_v.at[pl.ds(j * IDX_CHUNK, IDX_CHUNK)],
                sem,
            )
        )
    for c in copies:
        c.wait()

    pltpu.sync_copy(xl_v, xl_out.at[pl.ds(row0, rows_per)])


def _soft_ece_kernel(logits_ref, xlab_ref, out_ref, acc_ref, *, nblocks):
    i = pl.program_id(0)

    @pl.when(i == 0)
    def _init():
        acc_ref[...] = jnp.zeros_like(acc_ref)

    x = logits_ref[...]
    b, c = x.shape
    m = jnp.max(x, axis=1, keepdims=True)
    s = jnp.sum(jnp.exp(x), axis=1, keepdims=True)
    x_lab = xlab_ref[0]

    m16 = jnp.broadcast_to(m, (b, PAD_BINS))
    s16 = jnp.broadcast_to(s, (b, PAD_BINS))
    xl16 = jnp.broadcast_to(x_lab, (b, PAD_BINS))
    inv_s = 1.0 / s16
    max_prob = jnp.exp(m16) * inv_s
    pred_prob = jnp.exp(xl16) * inv_s

    bin_width = jnp.float32(1.0 / NBINS)
    bins = jnp.floor(max_prob / bin_width).astype(jnp.int32)
    bins = jnp.clip(bins, 0, NBINS - 1)

    bin_iota = jax.lax.broadcasted_iota(jnp.int32, (b, PAD_BINS), 1)
    onehot = (bins == bin_iota).astype(jnp.float32)

    acc_ref[0:1, :] += jnp.sum(onehot, axis=0, keepdims=True)
    acc_ref[1:2, :] += jnp.sum(onehot * max_prob, axis=0, keepdims=True)
    acc_ref[2:3, :] += jnp.sum(onehot * pred_prob, axis=0, keepdims=True)

    @pl.when(i == nblocks - 1)
    def _finish():
        counts = acc_ref[0:1, :]
        conf_sum = acc_ref[1:2, :]
        acc_sum = acc_ref[2:3, :]
        safe = jnp.maximum(counts, 1.0)
        conf_mean = jnp.where(counts > 0, conf_sum / safe, 0.0)
        acc_mean = jnp.where(counts > 0, acc_sum / safe, 0.0)
        num = jnp.sum(counts * jnp.abs(conf_mean - acc_mean), keepdims=True)
        den = jnp.sum(counts, keepdims=True)
        out_ref[...] = num / den


def kernel(logits, labels):
    n, c = logits.shape

    rows_per = n // NSUB
    mesh = plsc.VectorSubcoreMesh(
        core_axis_name="c", subcore_axis_name="s", num_cores=1
    )
    sc_gather = pl.kernel(
        functools.partial(_sc_gather_body, rows_per=rows_per, ncols=c),
        out_type=jax.ShapeDtypeStruct((n,), jnp.float32),
        mesh=mesh,
        scratch_types=[
            pltpu.VMEM((rows_per,), jnp.int32),
            pltpu.VMEM((rows_per // IDX_CHUNK, IDX_CHUNK), jnp.int32),
            pltpu.VMEM((rows_per,), jnp.float32),
            pltpu.SemaphoreType.DMA,
        ],
    )
    x_lab = sc_gather(logits.reshape(-1), labels.astype(jnp.int32))

    block = 2048
    nblocks = n // block
    xl3 = x_lab.reshape(nblocks, block, 1)

    out = pl.pallas_call(
        functools.partial(_soft_ece_kernel, nblocks=nblocks),
        grid=(nblocks,),
        in_specs=[
            pl.BlockSpec((block, c), lambda i: (i, 0)),
            pl.BlockSpec((1, block, 1), lambda i: (i, 0, 0)),
        ],
        out_specs=pl.BlockSpec((1, 1), lambda i: (0, 0)),
        out_shape=jax.ShapeDtypeStruct((1, 1), jnp.float32),
        scratch_shapes=[pltpu.VMEM((3, PAD_BINS), jnp.float32)],
    )(logits, xl3)
    return out[0, 0]

# --- scband reference (transcript-rebuilt; emitter-appended) ---
"""Pipeline reference for scband-soft-ece-27779848471442 (READ-ONLY COPY).

The authoritative reference and input builder live on the scoring server;
editing this copy changes nothing except your own understanding.
"""

import jax, jax.numpy as jnp
import numpy as np

NUM_BINS = 15


def setup_inputs(seed: int = 0) -> dict:
    key = jax.random.key(seed)
    k1, k2 = jax.random.split(key)
    logits = jax.random.normal(k1, (16384, 1000), dtype=jnp.float32)
    labels = jax.random.randint(k2, (16384,), 0, 1000, dtype=jnp.int64)
    return {"logits": logits, "labels": labels}


def reference(logits, labels):
    outputs = jax.nn.softmax(logits, axis=1)
    # gather probability of the true class
    pred_probs = jnp.take_along_axis(outputs, labels[:, None].astype(jnp.int32), axis=1).squeeze(1)
    max_probs = jnp.max(outputs, axis=1)
    bin_width = 1.0 / NUM_BINS
    bin_indices = jnp.floor(max_probs / bin_width).astype(jnp.int32)
    bin_indices = jnp.clip(bin_indices, 0, NUM_BINS - 1)
    ones = jnp.ones_like(max_probs)
    bin_counts = jax.ops.segment_sum(ones, bin_indices, num_segments=NUM_BINS)
    conf_sum = jax.ops.segment_sum(max_probs, bin_indices, num_segments=NUM_BINS)
    acc_sum = jax.ops.segment_sum(pred_probs, bin_indices, num_segments=NUM_BINS)
    safe_counts = jnp.maximum(bin_counts, 1.0)
    bin_confidences = jnp.where(bin_counts > 0, conf_sum / safe_counts, 0.0)
    bin_accuracies = jnp.where(bin_counts > 0, acc_sum / safe_counts, 0.0)
    ece = jnp.sum(bin_counts * jnp.abs(bin_confidences - bin_accuracies)) / jnp.sum(bin_counts)
    return ece

if __name__ == "__main__":
    import jax
    _d = setup_inputs()
    print(jax.jit(kernel)(*tuple(_d.values())))

</pallas_src>

<mosaic_0001>
#map = affine_map<(d0, d1) -> (0)>
module attributes {stable_mosaic.version = 14 : i64} {
  func.func @_sc_gather_body(%arg0: i32, %arg1: i32, %arg2: memref<16384000xf32, #tpu.memory_space<hbm>>, %arg3: memref<16384xi32, #tpu.memory_space<hbm>>, %arg4: memref<16384xf32, #tpu.memory_space<hbm>>, %arg5: memref<1024xi32, #tpu.memory_space<vmem>>, %arg6: memref<8x128xi32, #tpu.memory_space<vmem>>, %arg7: memref<1024xf32, #tpu.memory_space<vmem>>, %arg8: memref<!tpu.dma_semaphore, #tpu.memory_space<semaphore_mem>>) attributes {dimension_semantics = [#tpu.dimension_semantics<core_parallel>, #tpu.dimension_semantics<subcore_parallel>], iteration_bounds = array<i64: 1, 16>, scalar_prefetch = 0 : i64, scratch_operands = 4 : i64, tpu.core_type = #tpu.core_type<sc_vector_subcore>, window_params = [{transform_indices = #map}, {transform_indices = #map}, {transform_indices = #map}]} {
    %mul3A = arith.constant 1024 : i32
    %mul3A_0 = arith.muli %arg1, %mul3A : i32
    "tpu.region"() ({
      %run_scoped3A = tpu.sem_alloc : memref<!tpu.dma_semaphore, #tpu.memory_space<semaphore_mem>>
      %dma_start3A_132 = tpu.memref_slice %arg3[%mul3A_0] : memref<16384xi32, #tpu.memory_space<hbm>> -> memref<1024xi32, #tpu.memory_space<hbm>>
      %dma_start3A_133 = tpu.memref_slice %arg3[%mul3A_0] : memref<16384xi32, #tpu.memory_space<hbm>> -> memref<1024xi32, #tpu.memory_space<hbm>>
      tpu.enqueue_dma source(%dma_start3A_133 : memref<1024xi32, #tpu.memory_space<hbm>>) target(%arg5 : memref<1024xi32, #tpu.memory_space<vmem>>) target_semaphore(%run_scoped3A : memref<!tpu.dma_semaphore, #tpu.memory_space<semaphore_mem>>)
      %dma_wait3A_134 = tpu.memref_slice %arg3[%mul3A_0] : memref<16384xi32, #tpu.memory_space<hbm>> -> memref<1024xi32, #tpu.memory_space<hbm>>
      %dma_wait3A_135 = tpu.memref_slice %arg3[%mul3A_0] : memref<16384xi32, #tpu.memory_space<hbm>> -> memref<1024xi32, #tpu.memory_space<hbm>>
      tpu.wait_dma2 semaphore(%run_scoped3A : memref<!tpu.dma_semaphore, #tpu.memory_space<semaphore_mem>>) src(%dma_wait3A_135 : memref<1024xi32, #tpu.memory_space<hbm>>) dst(%arg5 : memref<1024xi32, #tpu.memory_space<vmem>>)
      tpu.yield
    }) : () -> ()
    %scan3A = arith.constant 0 : i32
    %scan3A_1 = arith.constant 0 : i32
    %scan3A_2 = arith.constant 64 : i32
    %scan3A_3 = arith.addi %scan3A_1, %scan3A_2 : i32
    %scan3A_4 = arith.constant 1 : i32
    scf.for %scan3A_132 = %scan3A_1 to %scan3A_3 step %scan3A_4  : i32 {
      %mul3A_133 = arith.constant 16 : i32
      %mul3A_134 = arith.muli %scan3A_132, %mul3A_133 : i32
      %get3A = arith.index_cast %mul3A_134 : i32 to index
      %get3A_135 = tpu.vector_load %arg5[%get3A] {strides = array<i32>} : memref<1024xi32, #tpu.memory_space<vmem>>, vector<16xi32>,
      %get3A_136 = vector.shape_cast %get3A_135 : vector<16xi32> to vector<16xi32>
      %mul3A_137 = arith.constant 16 : i32
      %mul3A_138 = arith.muli %scan3A_132, %mul3A_137 : i32
      %add3A = arith.addi %mul3A_0, %mul3A_138 : i32
      %iota3A = tpu.iota {dimensions = array<i32: 0>} : vector<16xi32>
      %add3A_139 = vector.broadcast %add3A : i32 to vector<16xi32>
      %add3A_140 = arith.addi %add3A_139, %iota3A : vector<16xi32>
      %mul3A_141 = arith.constant 1000 : i32
      %mul3A_142 = vector.broadcast %mul3A_141 : i32 to vector<16xi32>
      %mul3A_143 = arith.muli %add3A_140, %mul3A_142 : vector<16xi32>
      %add3A_144 = arith.addi %mul3A_143, %get3A_136 : vector<16xi32>
      %jit3A = arith.constant 8 : i32
      %div3A = arith.divsi %scan3A_132, %jit3A : i32
      %sign3A = arith.constant 0 : i32
      %sign3A_145 = arith.cmpi sgt, %scan3A_132, %sign3A : i32
      %sign3A_146 = arith.extui %sign3A_145 : i1 to i32
      %sign3A_147 = arith.constant 0 : i32
      %sign3A_148 = arith.cmpi slt, %scan3A_132, %sign3A_147 : i32
      %sign3A_149 = arith.extui %sign3A_148 : i1 to i32
      %sign3A_150 = arith.subi %sign3A_146, %sign3A_149 : i32
      %sign3A_151 = arith.constant 0 : i32
      %sign3A_152 = arith.cmpi sgt, %jit3A, %sign3A_151 : i32
      %sign3A_153 = arith.extui %sign3A_152 : i1 to i32
      %sign3A_154 = arith.constant 0 : i32
      %sign3A_155 = arith.cmpi slt, %jit3A, %sign3A_154 : i32
      %sign3A_156 = arith.extui %sign3A_155 : i1 to i32
      %sign3A_157 = arith.subi %sign3A_153, %sign3A_156 : i32
      %ne3A = arith.cmpi ne, %sign3A_150, %sign3A_157 : i32
      %rem3A = arith.remsi %scan3A_132, %jit3A : i32
      %ne3A_158 = arith.constant 0 : i32
      %ne3A_159 = arith.cmpi ne, %rem3A, %ne3A_158 : i32
      %and3A = arith.andi %ne3A, %ne3A_159 : i1
      %sub3A = arith.constant 1 : i32
      %sub3A_160 = arith.subi %div3A, %sub3A : i32
      %select_n3A = arith.select %and3A, %sub3A_160, %div3A : i32
      %jit3A_161 = arith.constant 8 : i32
      %eq3A = arith.constant 0 : i32
      %eq3A_162 = arith.cmpi eq, %jit3A_161, %eq3A : i32
      %jit3A_163 = arith.constant 1 : i32
      %select_n3A_164 = arith.select %eq3A_162, %jit3A_163, %jit3A_161 : i32
      %rem3A_165 = arith.remsi %scan3A_132, %select_n3A_164 : i32
      %ne3A_166 = arith.constant 0 : i32
      %ne3A_167 = arith.cmpi ne, %rem3A_165, %ne3A_166 : i32
      %lt3A = arith.constant 0 : i32
      %lt3A_168 = arith.cmpi slt, %rem3A_165, %lt3A : i32
      %lt3A_169 = arith.constant 0 : i32
      %lt3A_170 = arith.cmpi slt, %select_n3A_164, %lt3A_169 : i32
      %ne3A_171 = arith.xori %lt3A_168, %lt3A_170 : i1
      %and3A_172 = arith.andi %ne3A_171, %ne3A_167 : i1
      %add3A_173 = arith.addi %rem3A_165, %select_n3A_164 : i32
      %select_n3A_174 = arith.select %and3A_172, %add3A_173, %rem3A_165 : i32
      %mul3A_175 = arith.constant 16 : i32
      %mul3A_176 = arith.muli %select_n3A_174, %mul3A_175 : i32
      %swap3A = arith.index_cast %select_n3A : i32 to index
      %swap3A_177 = arith.index_cast %mul3A_176 : i32 to index
      %swap3A_178 = tpu.vector_load %arg6[%swap3A, %swap3A_177] {strides = array<i32>} : memref<8x128xi32, #tpu.memory_space<vmem>>, vector<1x16xi32>,
      %swap3A_179 = vector.shape_cast %swap3A_178 : vector<1x16xi32> to vector<16xi32>
      %swap3A_180 = vector.shape_cast %add3A_144 : vector<16xi32> to vector<1x16xi32>
      tpu.vector_store %arg6[%swap3A, %swap3A_177], %swap3A_180 {strides = array<i32>} : memref<8x128xi32, #tpu.memory_space<vmem>>, vector<1x16xi32>,
    }
    %scan3A_5 = arith.constant 64 : i32
    %dma_start3A = arith.constant 0 : i32
    %dma_start3A_6 = arith.constant 0 : i32
    %dma_start3A_7 = tpu.memref_slice %arg7[%dma_start3A_6] : memref<1024xf32, #tpu.memory_space<vmem>> -> memref<128xf32, #tpu.memory_space<vmem>>
    %dma_start3A_8 = arith.constant 0 : i32
    %dma_start3A_9 = tpu.memref_slice %arg6[%dma_start3A, %dma_start3A_8] : memref<8x128xi32, #tpu.memory_space<vmem>> -> memref<1x128xi32, #tpu.memory_space<vmem>>
    %dma_start3A_10 = tpu.memref_squeeze %dma_start3A_9 : memref<1x128xi32, #tpu.memory_space<vmem>> -> memref<128xi32, #tpu.memory_space<vmem>>
    %dma_start3A_11 = arith.constant 0 : i32
    %dma_start3A_12 = tpu.memref_slice %arg2[%dma_start3A_11] : memref<16384000xf32, #tpu.memory_space<hbm>> -> memref<16384000xf32, #tpu.memory_space<hbm>>
    tpu.enqueue_indirect_dma source(%dma_start3A_12 : memref<16384000xf32, #tpu.memory_space<hbm>>) target(%dma_start3A_7 : memref<128xf32, #tpu.memory_space<vmem>>) offsets(%dma_start3A_10 : memref<128xi32, #tpu.memory_space<vmem>>) semaphore(%arg8 : memref<!tpu.dma_semaphore, #tpu.memory_space<semaphore_mem>>)
    %dma_start3A_13 = arith.constant 1 : i32
    %dma_start3A_14 = arith.constant 128 : i32
    %dma_start3A_15 = tpu.memref_slice %arg7[%dma_start3A_14] : memref<1024xf32, #tpu.memory_space<vmem>> -> memref<128xf32, #tpu.memory_space<vmem>>
    %dma_start3A_16 = arith.constant 0 : i32
    %dma_start3A_17 = tpu.memref_slice %arg6[%dma_start3A_13, %dma_start3A_16] : memref<8x128xi32, #tpu.memory_space<vmem>> -> memref<1x128xi32, #tpu.memory_space<vmem>>
    %dma_start3A_18 = tpu.memref_squeeze %dma_start3A_17 : memref<1x128xi32, #tpu.memory_space<vmem>> -> memref<128xi32, #tpu.memory_space<vmem>>
    %dma_start3A_19 = arith.constant 0 : i32
    %dma_start3A_20 = tpu.memref_slice %arg2[%dma_start3A_19] : memref<16384000xf32, #tpu.memory_space<hbm>> -> memref<16384000xf32, #tpu.memory_space<hbm>>
    tpu.enqueue_indirect_dma source(%dma_start3A_20 : memref<16384000xf32, #tpu.memory_space<hbm>>) target(%dma_start3A_15 : memref<128xf32, #tpu.memory_space<vmem>>) offsets(%dma_start3A_18 : memref<128xi32, #tpu.memory_space<vmem>>) semaphore(%arg8 : memref<!tpu.dma_semaphore, #tpu.memory_space<semaphore_mem>>)
    %dma_start3A_21 = arith.constant 2 : i32
    %dma_start3A_22 = arith.constant 256 : i32
    %dma_start3A_23 = tpu.memref_slice %arg7[%dma_start3A_22] : memref<1024xf32, #tpu.memory_space<vmem>> -> memref<128xf32, #tpu.memory_space<vmem>>
    %dma_start3A_24 = arith.constant 0 : i32
    %dma_start3A_25 = tpu.memref_slice %arg6[%dma_start3A_21, %dma_start3A_24] : memref<8x128xi32, #tpu.memory_space<vmem>> -> memref<1x128xi32, #tpu.memory_space<vmem>>
    %dma_start3A_26 = tpu.memref_squeeze %dma_start3A_25 : memref<1x128xi32, #tpu.memory_space<vmem>> -> memref<128xi32, #tpu.memory_space<vmem>>
    %dma_start3A_27 = arith.constant 0 : i32
    %dma_start3A_28 = tpu.memref_slice %arg2[%dma_start3A_27] : memref<16384000xf32, #tpu.memory_space<hbm>> -> memref<16384000xf32, #tpu.memory_space<hbm>>
    tpu.enqueue_indirect_dma source(%dma_start3A_28 : memref<16384000xf32, #tpu.memory_space<hbm>>) target(%dma_start3A_23 : memref<128xf32, #tpu.memory_space<vmem>>) offsets(%dma_start3A_26 : memref<128xi32, #tpu.memory_space<vmem>>) semaphore(%arg8 : memref<!tpu.dma_semaphore, #tpu.memory_space<semaphore_mem>>)
    %dma_start3A_29 = arith.constant 3 : i32
    %dma_start3A_30 = arith.constant 384 : i32
    %dma_start3A_31 = tpu.memref_slice %arg7[%dma_start3A_30] : memref<1024xf32, #tpu.memory_space<vmem>> -> memref<128xf32, #tpu.memory_space<vmem>>
    %dma_start3A_32 = arith.constant 0 : i32
    %dma_start3A_33 = tpu.memref_slice %arg6[%dma_start3A_29, %dma_start3A_32] : memref<8x128xi32, #tpu.memory_space<vmem>> -> memref<1x128xi32, #tpu.memory_space<vmem>>
    %dma_start3A_34 = tpu.memref_squeeze %dma_start3A_33 : memref<1x128xi32, #tpu.memory_space<vmem>> -> memref<128xi32, #tpu.memory_space<vmem>>
    %dma_start3A_35 = arith.constant 0 : i32
    %dma_start3A_36 = tpu.memref_slice %arg2[%dma_start3A_35] : memref<16384000xf32, #tpu.memory_space<hbm>> -> memref<16384000xf32, #tpu.memory_space<hbm>>
    tpu.enqueue_indirect_dma source(%dma_start3A_36 : memref<16384000xf32, #tpu.memory_space<hbm>>) target(%dma_start3A_31 : memref<128xf32, #tpu.memory_space<vmem>>) offsets(%dma_start3A_34 : memref<128xi32, #tpu.memory_space<vmem>>) semaphore(%arg8 : memref<!tpu.dma_semaphore, #tpu.memory_space<semaphore_mem>>)
    %dma_start3A_37 = arith.constant 4 : i32
    %dma_start3A_38 = arith.constant 512 : i32
    %dma_start3A_39 = tpu.memref_slice %arg7[%dma_start3A_38] : memref<1024xf32, #tpu.memory_space<vmem>> -> memref<128xf32, #tpu.memory_space<vmem>>
    %dma_start3A_40 = arith.constant 0 : i32
    %dma_start3A_41 = tpu.memref_slice %arg6[%dma_start3A_37, %dma_start3A_40] : memref<8x128xi32, #tpu.memory_space<vmem>> -> memref<1x128xi32, #tpu.memory_space<vmem>>
    %dma_start3A_42 = tpu.memref_squeeze %dma_start3A_41 : memref<1x128xi32, #tpu.memory_space<vmem>> -> memref<128xi32, #tpu.memory_space<vmem>>
    %dma_start3A_43 = arith.constant 0 : i32
    %dma_start3A_44 = tpu.memref_slice %arg2[%dma_start3A_43] : memref<16384000xf32, #tpu.memory_space<hbm>> -> memref<16384000xf32, #tpu.memory_space<hbm>>
    tpu.enqueue_indirect_dma source(%dma_start3A_44 : memref<16384000xf32, #tpu.memory_space<hbm>>) target(%dma_start3A_39 : memref<128xf32, #tpu.memory_space<vmem>>) offsets(%dma_start3A_42 : memref<128xi32, #tpu.memory_space<vmem>>) semaphore(%arg8 : memref<!tpu.dma_semaphore, #tpu.memory_space<semaphore_mem>>)
    %dma_start3A_45 = arith.constant 5 : i32
    %dma_start3A_46 = arith.constant 640 : i32
    %dma_start3A_47 = tpu.memref_slice %arg7[%dma_start3A_46] : memref<1024xf32, #tpu.memory_space<vmem>> -> memref<128xf32, #tpu.memory_space<vmem>>
    %dma_start3A_48 = arith.constant 0 : i32
    %dma_start3A_49 = tpu.memref_slice %arg6[%dma_start3A_45, %dma_start3A_48] : memref<8x128xi32, #tpu.memory_space<vmem>> -> memref<1x128xi32, #tpu.memory_space<vmem>>
    %dma_start3A_50 = tpu.memref_squeeze %dma_start3A_49 : memref<1x128xi32, #tpu.memory_space<vmem>> -> memref<128xi32, #tpu.memory_space<vmem>>
    %dma_start3A_51 = arith.constant 0 : i32
    %dma_start3A_52 = tpu.memref_slice %arg2[%dma_start3A_51] : memref<16384000xf32, #tpu.memory_space<hbm>> -> memref<16384000xf32, #tpu.memory_space<hbm>>
    tpu.enqueue_indirect_dma source(%dma_start3A_52 : memref<16384000xf32, #tpu.memory_space<hbm>>) target(%dma_start3A_47 : memref<128xf32, #tpu.memory_space<vmem>>) offsets(%dma_start3A_50 : memref<128xi32, #tpu.memory_space<vmem>>) semaphore(%arg8 : memref<!tpu.dma_semaphore, #tpu.memory_space<semaphore_mem>>)
    %dma_start3A_53 = arith.constant 6 : i32
    %dma_start3A_54 = arith.constant 768 : i32
    %dma_start3A_55 = tpu.memref_slice %arg7[%dma_start3A_54] : memref<1024xf32, #tpu.memory_space<vmem>> -> memref<128xf32, #tpu.memory_space<vmem>>
    %dma_start3A_56 = arith.constant 0 : i32
    %dma_start3A_57 = tpu.memref_slice %arg6[%dma_start3A_53, %dma_start3A_56] : memref<8x128xi32, #tpu.memory_space<vmem>> -> memref<1x128xi32, #tpu.memory_space<vmem>>
    %dma_start3A_58 = tpu.memref_squeeze %dma_start3A_57 : memref<1x128xi32, #tpu.memory_space<vmem>> -> memref<128xi32, #tpu.memory_space<vmem>>
    %dma_start3A_59 = arith.constant 0 : i32
    %dma_start3A_60 = tpu.memref_slice %arg2[%dma_start3A_59] : memref<16384000xf32, #tpu.memory_space<hbm>> -> memref<16384000xf32, #tpu.memory_space<hbm>>
    tpu.enqueue_indirect_dma source(%dma_start3A_60 : memref<16384000xf32, #tpu.memory_space<hbm>>) target(%dma_start3A_55 : memref<128xf32, #tpu.memory_space<vmem>>) offsets(%dma_start3A_58 : memref<128xi32, #tpu.memory_space<vmem>>) semaphore(%arg8 : memref<!tpu.dma_semaphore, #tpu.memory_space<semaphore_mem>>)
    %dma_start3A_61 = arith.constant 7 : i32
    %dma_start3A_62 = arith.constant 896 : i32
    %dma_start3A_63 = tpu.memref_slice %arg7[%dma_start3A_62] : memref<1024xf32, #tpu.memory_space<vmem>> -> memref<128xf32, #tpu.memory_space<vmem>>
    %dma_start3A_64 = arith.constant 0 : i32
    %dma_start3A_65 = tpu.memref_slice %arg6[%dma_start3A_61, %dma_start3A_64] : memref<8x128xi32, #tpu.memory_space<vmem>> -> memref<1x128xi32, #tpu.memory_space<vmem>>
    %dma_start3A_66 = tpu.memref_squeeze %dma_start3A_65 : memref<1x128xi32, #tpu.memory_space<vmem>> -> memref<128xi32, #tpu.memory_space<vmem>>
    %dma_start3A_67 = arith.constant 0 : i32
    %dma_start3A_68 = tpu.memref_slice %arg2[%dma_start3A_67] : memref<16384000xf32, #tpu.memory_space<hbm>> -> memref<16384000xf32, #tpu.memory_space<hbm>>
    tpu.enqueue_indirect_dma source(%dma_start3A_68 : memref<16384000xf32, #tpu.memory_space<hbm>>) target(%dma_start3A_63 : memref<128xf32, #tpu.memory_space<vmem>>) offsets(%dma_start3A_66 : memref<128xi32, #tpu.memory_space<vmem>>) semaphore(%arg8 : memref<!tpu.dma_semaphore, #tpu.memory_space<semaphore_mem>>)
    %dma_wait3A = arith.constant 0 : i32
    %dma_wait3A_69 = arith.constant 0 : i32
    %dma_wait3A_70 = tpu.memref_slice %arg7[%dma_wait3A_69] : memref<1024xf32, #tpu.memory_space<vmem>> -> memref<128xf32, #tpu.memory_space<vmem>>
    %dma_wait3A_71 = arith.constant 0 : i32
    %dma_wait3A_72 = tpu.memref_slice %arg6[%dma_wait3A, %dma_wait3A_71] : memref<8x128xi32, #tpu.memory_space<vmem>> -> memref<1x128xi32, #tpu.memory_space<vmem>>
    %dma_wait3A_73 = tpu.memref_squeeze %dma_wait3A_72 : memref<1x128xi32, #tpu.memory_space<vmem>> -> memref<128xi32, #tpu.memory_space<vmem>>
    %dma_wait3A_74 = arith.constant 0 : i32
    %dma_wait3A_75 = tpu.memref_slice %arg2[%dma_wait3A_74] : memref<16384000xf32, #tpu.memory_space<hbm>> -> memref<16384000xf32, #tpu.memory_space<hbm>>
    tpu.wait_indirect_dma semaphore(%arg8 : memref<!tpu.dma_semaphore, #tpu.memory_space<semaphore_mem>>) src(%dma_wait3A_75 : memref<16384000xf32, #tpu.memory_space<hbm>>) dst(%dma_wait3A_70 : memref<128xf32, #tpu.memory_space<vmem>>)
    %dma_wait3A_76 = arith.constant 1 : i32
    %dma_wait3A_77 = arith.constant 128 : i32
    %dma_wait3A_78 = tpu.memref_slice %arg7[%dma_wait3A_77] : memref<1024xf32, #tpu.memory_space<vmem>> -> memref<128xf32, #tpu.memory_space<vmem>>
    %dma_wait3A_79 = arith.constant 0 : i32
    %dma_wait3A_80 = tpu.memref_slice %arg6[%dma_wait3A_76, %dma_wait3A_79] : memref<8x128xi32, #tpu.memory_space<vmem>> -> memref<1x128xi32, #tpu.memory_space<vmem>>
    %dma_wait3A_81 = tpu.memref_squeeze %dma_wait3A_80 : memref<1x128xi32, #tpu.memory_space<vmem>> -> memref<128xi32, #tpu.memory_space<vmem>>
    %dma_wait3A_82 = arith.constant 0 : i32
    %dma_wait3A_83 = tpu.memref_slice %arg2[%dma_wait3A_82] : memref<16384000xf32, #tpu.memory_space<hbm>> -> memref<16384000xf32, #tpu.memory_space<hbm>>
    tpu.wait_indirect_dma semaphore(%arg8 : memref<!tpu.dma_semaphore, #tpu.memory_space<semaphore_mem>>) src(%dma_wait3A_83 : memref<16384000xf32, #tpu.memory_space<hbm>>) dst(%dma_wait3A_78 : memref<128xf32, #tpu.memory_space<vmem>>)
    %dma_wait3A_84 = arith.constant 2 : i32
    %dma_wait3A_85 = arith.constant 256 : i32
    %dma_wait3A_86 = tpu.memref_slice %arg7[%dma_wait3A_85] : memref<1024xf32, #tpu.memory_space<vmem>> -> memref<128xf32, #tpu.memory_space<vmem>>
    %dma_wait3A_87 = arith.constant 0 : i32
    %dma_wait3A_88 = tpu.memref_slice %arg6[%dma_wait3A_84, %dma_wait3A_87] : memref<8x128xi32, #tpu.memory_space<vmem>> -> memref<1x128xi32, #tpu.memory_space<vmem>>
    %dma_wait3A_89 = tpu.memref_squeeze %dma_wait3A_88 : memref<1x128xi32, #tpu.memory_space<vmem>> -> memref<128xi32, #tpu.memory_space<vmem>>
    %dma_wait3A_90 = arith.constant 0 : i32
    %dma_wait3A_91 = tpu.memref_slice %arg2[%dma_wait3A_90] : memref<16384000xf32, #tpu.memory_space<hbm>> -> memref<16384000xf32, #tpu.memory_space<hbm>>
    tpu.wait_indirect_dma semaphore(%arg8 : memref<!tpu.dma_semaphore, #tpu.memory_space<semaphore_mem>>) src(%dma_wait3A_91 : memref<16384000xf32, #tpu.memory_space<hbm>>) dst(%dma_wait3A_86 : memref<128xf32, #tpu.memory_space<vmem>>)
    %dma_wait3A_92 = arith.constant 3 : i32
    %dma_wait3A_93 = arith.constant 384 : i32
    %dma_wait3A_94 = tpu.memref_slice %arg7[%dma_wait3A_93] : memref<1024xf32, #tpu.memory_space<vmem>> -> memref<128xf32, #tpu.memory_space<vmem>>
    %dma_wait3A_95 = arith.constant 0 : i32
    %dma_wait3A_96 = tpu.memref_slice %arg6[%dma_wait3A_92, %dma_wait3A_95] : memref<8x128xi32, #tpu.memory_space<vmem>> -> memref<1x128xi32, #tpu.memory_space<vmem>>
    %dma_wait3A_97 = tpu.memref_squeeze %dma_wait3A_96 : memref<1x128xi32, #tpu.memory_space<vmem>> -> memref<128xi32, #tpu.memory_space<vmem>>
    %dma_wait3A_98 = arith.constant 0 : i32
    %dma_wait3A_99 = tpu.memref_slice %arg2[%dma_wait3A_98] : memref<16384000xf32, #tpu.memory_space<hbm>> -> memref<16384000xf32, #tpu.memory_space<hbm>>
    tpu.wait_indirect_dma semaphore(%arg8 : memref<!tpu.dma_semaphore, #tpu.memory_space<semaphore_mem>>) src(%dma_wait3A_99 : memref<16384000xf32, #tpu.memory_space<hbm>>) dst(%dma_wait3A_94 : memref<128xf32, #tpu.memory_space<vmem>>)
    %dma_wait3A_100 = arith.constant 4 : i32
    %dma_wait3A_101 = arith.constant 512 : i32
    %dma_wait3A_102 = tpu.memref_slice %arg7[%dma_wait3A_101] : memref<1024xf32, #tpu.memory_space<vmem>> -> memref<128xf32, #tpu.memory_space<vmem>>
    %dma_wait3A_103 = arith.constant 0 : i32
    %dma_wait3A_104 = tpu.memref_slice %arg6[%dma_wait3A_100, %dma_wait3A_103] : memref<8x128xi32, #tpu.memory_space<vmem>> -> memref<1x128xi32, #tpu.memory_space<vmem>>
    %dma_wait3A_105 = tpu.memref_squeeze %dma_wait3A_104 : memref<1x128xi32, #tpu.memory_space<vmem>> -> memref<128xi32, #tpu.memory_space<vmem>>
    %dma_wait3A_106 = arith.constant 0 : i32
    %dma_wait3A_107 = tpu.memref_slice %arg2[%dma_wait3A_106] : memref<16384000xf32, #tpu.memory_space<hbm>> -> memref<16384000xf32, #tpu.memory_space<hbm>>
    tpu.wait_indirect_dma semaphore(%arg8 : memref<!tpu.dma_semaphore, #tpu.memory_space<semaphore_mem>>) src(%dma_wait3A_107 : memref<16384000xf32, #tpu.memory_space<hbm>>) dst(%dma_wait3A_102 : memref<128xf32, #tpu.memory_space<vmem>>)
    %dma_wait3A_108 = arith.constant 5 : i32
    %dma_wait3A_109 = arith.constant 640 : i32
    %dma_wait3A_110 = tpu.memref_slice %arg7[%dma_wait3A_109] : memref<1024xf32, #tpu.memory_space<vmem>> -> memref<128xf32, #tpu.memory_space<vmem>>
    %dma_wait3A_111 = arith.constant 0 : i32
    %dma_wait3A_112 = tpu.memref_slice %arg6[%dma_wait3A_108, %dma_wait3A_111] : memref<8x128xi32, #tpu.memory_space<vmem>> -> memref<1x128xi32, #tpu.memory_space<vmem>>
    %dma_wait3A_113 = tpu.memref_squeeze %dma_wait3A_112 : memref<1x128xi32, #tpu.memory_space<vmem>> -> memref<128xi32, #tpu.memory_space<vmem>>
    %dma_wait3A_114 = arith.constant 0 : i32
    %dma_wait3A_115 = tpu.memref_slice %arg2[%dma_wait3A_114] : memref<16384000xf32, #tpu.memory_space<hbm>> -> memref<16384000xf32, #tpu.memory_space<hbm>>
    tpu.wait_indirect_dma semaphore(%arg8 : memref<!tpu.dma_semaphore, #tpu.memory_space<semaphore_mem>>) src(%dma_wait3A_115 : memref<16384000xf32, #tpu.memory_space<hbm>>) dst(%dma_wait3A_110 : memref<128xf32, #tpu.memory_space<vmem>>)
    %dma_wait3A_116 = arith.constant 6 : i32
    %dma_wait3A_117 = arith.constant 768 : i32
    %dma_wait3A_118 = tpu.memref_slice %arg7[%dma_wait3A_117] : memref<1024xf32, #tpu.memory_space<vmem>> -> memref<128xf32, #tpu.memory_space<vmem>>
    %dma_wait3A_119 = arith.constant 0 : i32
    %dma_wait3A_120 = tpu.memref_slice %arg6[%dma_wait3A_116, %dma_wait3A_119] : memref<8x128xi32, #tpu.memory_space<vmem>> -> memref<1x128xi32, #tpu.memory_space<vmem>>
    %dma_wait3A_121 = tpu.memref_squeeze %dma_wait3A_120 : memref<1x128xi32, #tpu.memory_space<vmem>> -> memref<128xi32, #tpu.memory_space<vmem>>
    %dma_wait3A_122 = arith.constant 0 : i32
    %dma_wait3A_123 = tpu.memref_slice %arg2[%dma_wait3A_122] : memref<16384000xf32, #tpu.memory_space<hbm>> -> memref<16384000xf32, #tpu.memory_space<hbm>>
    tpu.wait_indirect_dma semaphore(%arg8 : memref<!tpu.dma_semaphore, #tpu.memory_space<semaphore_mem>>) src(%dma_wait3A_123 : memref<16384000xf32, #tpu.memory_space<hbm>>) dst(%dma_wait3A_118 : memref<128xf32, #tpu.memory_space<vmem>>)
    %dma_wait3A_124 = arith.constant 7 : i32
    %dma_wait3A_125 = arith.constant 896 : i32
    %dma_wait3A_126 = tpu.memref_slice %arg7[%dma_wait3A_125] : memref<1024xf32, #tpu.memory_space<vmem>> -> memref<128xf32, #tpu.memory_space<vmem>>
    %dma_wait3A_127 = arith.constant 0 : i32
    %dma_wait3A_128 = tpu.memref_slice %arg6[%dma_wait3A_124, %dma_wait3A_127] : memref<8x128xi32, #tpu.memory_space<vmem>> -> memref<1x128xi32, #tpu.memory_space<vmem>>
    %dma_wait3A_129 = tpu.memref_squeeze %dma_wait3A_128 : memref<1x128xi32, #tpu.memory_space<vmem>> -> memref<128xi32, #tpu.memory_space<vmem>>
    %dma_wait3A_130 = arith.constant 0 : i32
    %dma_wait3A_131 = tpu.memref_slice %arg2[%dma_wait3A_130] : memref<16384000xf32, #tpu.memory_space<hbm>> -> memref<16384000xf32, #tpu.memory_space<hbm>>
    tpu.wait_indirect_dma semaphore(%arg8 : memref<!tpu.dma_semaphore, #tpu.memory_space<semaphore_mem>>) src(%dma_wait3A_131 : memref<16384000xf32, #tpu.memory_space<hbm>>) dst(%dma_wait3A_126 : memref<128xf32, #tpu.memory_space<vmem>>)
    "tpu.region"() ({
      %run_scoped3A = tpu.sem_alloc : memref<!tpu.dma_semaphore, #tpu.memory_space<semaphore_mem>>
      %dma_start3A_132 = tpu.memref_slice %arg4[%mul3A_0] : memref<16384xf32, #tpu.memory_space<hbm>> -> memref<1024xf32, #tpu.memory_space<hbm>>
      %dma_start3A_133 = tpu.memref_slice %arg4[%mul3A_0] : memref<16384xf32, #tpu.memory_space<hbm>> -> memref<1024xf32, #tpu.memory_space<hbm>>
      tpu.enqueue_dma source(%arg7 : memref<1024xf32, #tpu.memory_space<vmem>>) target(%dma_start3A_133 : memref<1024xf32, #tpu.memory_space<hbm>>) target_semaphore(%run_scoped3A : memref<!tpu.dma_semaphore, #tpu.memory_space<semaphore_mem>>)
      %dma_wait3A_134 = tpu.memref_slice %arg4[%mul3A_0] : memref<16384xf32, #tpu.memory_space<hbm>> -> memref<1024xf32, #tpu.memory_space<hbm>>
      %dma_wait3A_135 = tpu.memref_slice %arg4[%mul3A_0] : memref<16384xf32, #tpu.memory_space<hbm>> -> memref<1024xf32, #tpu.memory_space<hbm>>
      tpu.wait_dma2 semaphore(%run_scoped3A : memref<!tpu.dma_semaphore, #tpu.memory_space<semaphore_mem>>) src(%arg7 : memref<1024xf32, #tpu.memory_space<vmem>>) dst(%dma_wait3A_135 : memref<1024xf32, #tpu.memory_space<hbm>>)
      tpu.yield
    }) : () -> ()
    return
  }
}

module attributes {stable_mosaic.version = 14 : i64} {
  func.func @_soft_ece_kernel(%arg0: i32, %arg1: memref<2048x1000xf32, #tpu.memory_space<vmem>>, %arg2: memref<1x2048x1xf32, #tpu.memory_space<vmem>>, %arg3: memref<1x1xf32, #tpu.memory_space<vmem>>, %arg4: memref<3x16xf32, #tpu.memory_space<vmem>>) attributes {dimension_semantics = [#tpu.dimension_semantics<arbitrary>], iteration_bounds = array<i64: 8>, scalar_prefetch = 0 : i64, scratch_operands = 1 : i64, tpu.core_type = #tpu.core_type<tc>, window_params = [{transform_indices = @transform_0, window_bounds = array<i64: 2048, 1000>}, {transform_indices = @transform_1, window_bounds = array<i64: 1, 2048, 1>}, {pipeline_mode = #tpu.pipeline_mode<synchronous>, transform_indices = @transform_2, window_bounds = array<i64: 1, 1>}]} {
    %eq3A = arith.constant 0 : i32
    %eq3A_0 = arith.cmpi eq, %arg0, %eq3A : i32
    %convert_element_type3A = arith.extui %eq3A_0 : i1 to i32
    %cond3A = arith.constant 0 : i32
    %cond3A_1 = arith.cmpi ne, %convert_element_type3A, %cond3A : i32
    scf.if %cond3A_1 {
      %broadcast_in_dim3A_68 = arith.constant 0.000000e+00 : f32
      %broadcast_in_dim3A_69 = vector.broadcast %broadcast_in_dim3A_68 : f32 to vector<3x16xf32>
      %swap3A_70 = arith.constant 0 : index
      %swap3A_71 = arith.constant 0 : index
      %swap3A_72 = vector.load %arg4[%swap3A_70, %swap3A_71] : memref<3x16xf32, #tpu.memory_space<vmem>>, vector<3x16xf32>
      tpu.vector_store %arg4[%swap3A_70, %swap3A_71], %broadcast_in_dim3A_69 {strides = array<i32>} : memref<3x16xf32, #tpu.memory_space<vmem>>, vector<3x16xf32>,
    } else {
    }
    %get3A = arith.constant 0 : index
    %get3A_2 = arith.constant 0 : index
    %get3A_3 = vector.load %arg1[%get3A, %get3A_2] : memref<2048x1000xf32, #tpu.memory_space<vmem>>, vector<2048x1000xf32>
    %reduce_max3A = arith.constant dense<0xFF800000> : vector<2048xf32>
    %reduce_max3A_4 = vector.multi_reduction <maximumf>, %get3A_3, %reduce_max3A [1] : vector<2048x1000xf32> to vector<2048xf32>
    %broadcast_in_dim3A = vector.shape_cast %reduce_max3A_4 : vector<2048xf32> to vector<2048x1xf32>
    %exp3A = math.exp %get3A_3 : vector<2048x1000xf32>
    %reduce_sum3A = arith.constant dense<0.000000e+00> : vector<2048xf32>
    %reduce_sum3A_5 = vector.multi_reduction <add>, %exp3A, %reduce_sum3A [1] : vector<2048x1000xf32> to vector<2048xf32>
    %broadcast_in_dim3A_6 = vector.shape_cast %reduce_sum3A_5 : vector<2048xf32> to vector<2048x1xf32>
    %get3A_7 = arith.constant 0 : index
    %get3A_8 = arith.constant 0 : index
    %get3A_9 = arith.constant 0 : index
    %get3A_10 = vector.load %arg2[%get3A_7, %get3A_8, %get3A_9] : memref<1x2048x1xf32, #tpu.memory_space<vmem>>, vector<1x2048x1xf32>
    %get3A_11 = vector.shape_cast %get3A_10 : vector<1x2048x1xf32> to vector<2048x1xf32>
    %broadcast_in_dim3A_12 = vector.shape_cast %broadcast_in_dim3A : vector<2048x1xf32> to vector<2048x1xf32>
    %broadcast_in_dim3A_13 = vector.broadcast %broadcast_in_dim3A_12 : vector<2048x1xf32> to vector<2048x16xf32>
    %broadcast_in_dim3A_14 = vector.shape_cast %broadcast_in_dim3A_6 : vector<2048x1xf32> to vector<2048x1xf32>
    %broadcast_in_dim3A_15 = vector.broadcast %broadcast_in_dim3A_14 : vector<2048x1xf32> to vector<2048x16xf32>
    %broadcast_in_dim3A_16 = vector.shape_cast %get3A_11 : vector<2048x1xf32> to vector<2048x1xf32>
    %broadcast_in_dim3A_17 = vector.broadcast %broadcast_in_dim3A_16 : vector<2048x1xf32> to vector<2048x16xf32>
    %div3A = arith.constant 1.000000e+00 : f32
    %div3A_18 = vector.broadcast %div3A : f32 to vector<2048x16xf32>
    %div3A_19 = arith.divf %div3A_18, %broadcast_in_dim3A_15 : vector<2048x16xf32>
    %exp3A_20 = math.exp %broadcast_in_dim3A_13 : vector<2048x16xf32>
    %mul3A = arith.mulf %exp3A_20, %div3A_19 : vector<2048x16xf32>
    %exp3A_21 = math.exp %broadcast_in_dim3A_17 : vector<2048x16xf32>
    %mul3A_22 = arith.mulf %exp3A_21, %div3A_19 : vector<2048x16xf32>
    %div3A_23 = arith.constant 0.0666666701 : f32
    %div3A_24 = vector.broadcast %div3A_23 : f32 to vector<2048x16xf32>
    %div3A_25 = arith.divf %mul3A, %div3A_24 : vector<2048x16xf32>
    %floor3A = math.floor %div3A_25 : vector<2048x16xf32>
    %convert_element_type3A_26 = arith.fptosi %floor3A : vector<2048x16xf32> to vector<2048x16xi32>
    %jit3A = arith.constant 0 : i32
    %jit3A_27 = arith.constant 14 : i32
    %max3A = vector.broadcast %jit3A : i32 to vector<2048x16xi32>
    %max3A_28 = arith.maxsi %max3A, %convert_element_type3A_26 : vector<2048x16xi32>
    %min3A = vector.broadcast %jit3A_27 : i32 to vector<2048x16xi32>
    %min3A_29 = arith.minsi %min3A, %max3A_28 : vector<2048x16xi32>
    %iota3A = tpu.iota {dimensions = array<i32: 1>} : vector<2048x16xi32>
    %eq3A_30 = arith.cmpi eq, %min3A_29, %iota3A : vector<2048x16xi32>
    %convert_element_type3A_31 = arith.extui %eq3A_30 : vector<2048x16xi1> to vector<2048x16xi32>
    %convert_element_type3A_32 = arith.sitofp %convert_element_type3A_31 : vector<2048x16xi32> to vector<2048x16xf32>
    %get3A_33 = arith.constant 0 : index
    %get3A_34 = arith.constant 0 : index
    %get3A_35 = vector.load %arg4[%get3A_33, %get3A_34] : memref<3x16xf32, #tpu.memory_space<vmem>>, vector<1x16xf32>
    %reduce_sum3A_36 = arith.constant dense<0.000000e+00> : vector<16xf32>
    %reduce_sum3A_37 = vector.multi_reduction <add>, %convert_element_type3A_32, %reduce_sum3A_36 [0] : vector<2048x16xf32> to vector<16xf32>
    %broadcast_in_dim3A_38 = vector.shape_cast %reduce_sum3A_37 : vector<16xf32> to vector<1x16xf32>
    %add3A = arith.addf %get3A_35, %broadcast_in_dim3A_38 : vector<1x16xf32>
    %swap3A = arith.constant 0 : index
    %swap3A_39 = arith.constant 0 : index
    %swap3A_40 = vector.load %arg4[%swap3A, %swap3A_39] : memref<3x16xf32, #tpu.memory_space<vmem>>, vector<1x16xf32>
    tpu.vector_store %arg4[%swap3A, %swap3A_39], %add3A {strides = array<i32>} : memref<3x16xf32, #tpu.memory_space<vmem>>, vector<1x16xf32>,
    %get3A_41 = arith.constant 1 : index
    %get3A_42 = arith.constant 0 : index
    %get3A_43 = vector.load %arg4[%get3A_41, %get3A_42] : memref<3x16xf32, #tpu.memory_space<vmem>>, vector<1x16xf32>
    %mul3A_44 = arith.mulf %convert_element_type3A_32, %mul3A : vector<2048x16xf32>
    %reduce_sum3A_45 = arith.constant dense<0.000000e+00> : vector<16xf32>
    %reduce_sum3A_46 = vector.multi_reduction <add>, %mul3A_44, %reduce_sum3A_45 [0] : vector<2048x16xf32> to vector<16xf32>
    %broadcast_in_dim3A_47 = vector.shape_cast %reduce_sum3A_46 : vector<16xf32> to vector<1x16xf32>
    %add3A_48 = arith.addf %get3A_43, %broadcast_in_dim3A_47 : vector<1x16xf32>
    %swap3A_49 = arith.constant 1 : index
    %swap3A_50 = arith.constant 0 : index
    %swap3A_51 = vector.load %arg4[%swap3A_49, %swap3A_50] : memref<3x16xf32, #tpu.memory_space<vmem>>, vector<1x16xf32>
    tpu.vector_store %arg4[%swap3A_49, %swap3A_50], %add3A_48 {strides = array<i32>} : memref<3x16xf32, #tpu.memory_space<vmem>>, vector<1x16xf32>,
    %get3A_52 = arith.constant 2 : index
    %get3A_53 = arith.constant 0 : index
    %get3A_54 = vector.load %arg4[%get3A_52, %get3A_53] : memref<3x16xf32, #tpu.memory_space<vmem>>, vector<1x16xf32>
    %mul3A_55 = arith.mulf %convert_element_type3A_32, %mul3A_22 : vector<2048x16xf32>
    %reduce_sum3A_56 = arith.constant dense<0.000000e+00> : vector<16xf32>
    %reduce_sum3A_57 = vector.multi_reduction <add>, %mul3A_55, %reduce_sum3A_56 [0] : vector<2048x16xf32> to vector<16xf32>
    %broadcast_in_dim3A_58 = vector.shape_cast %reduce_sum3A_57 : vector<16xf32> to vector<1x16xf32>
    %add3A_59 = arith.addf %get3A_54, %broadcast_in_dim3A_58 : vector<1x16xf32>
    %swap3A_60 = arith.constant 2 : index
    %swap3A_61 = arith.constant 0 : index
    %swap3A_62 = vector.load %arg4[%swap3A_60, %swap3A_61] : memref<3x16xf32, #tpu.memory_space<vmem>>, vector<1x16xf32>
    tpu.vector_store %arg4[%swap3A_60, %swap3A_61], %add3A_59 {strides = array<i32>} : memref<3x16xf32, #tpu.memory_space<vmem>>, vector<1x16xf32>,
    %eq3A_63 = arith.constant 7 : i32
    %eq3A_64 = arith.cmpi eq, %arg0, %eq3A_63 : i32
    %convert_element_type3A_65 = arith.extui %eq3A_64 : i1 to i32
    %cond3A_66 = arith.constant 0 : i32
    %cond3A_67 = arith.cmpi ne, %convert_element_type3A_65, %cond3A_66 : i32
    scf.if %cond3A_67 {
      %get3A_68 = arith.constant 0 : index
      %get3A_69 = arith.constant 0 : index
      %get3A_70 = vector.load %arg4[%get3A_68, %get3A_69] : memref<3x16xf32, #tpu.memory_space<vmem>>, vector<1x16xf32>
      %get3A_71 = arith.constant 1 : index
      %get3A_72 = arith.constant 0 : index
      %get3A_73 = vector.load %arg4[%get3A_71, %get3A_72] : memref<3x16xf32, #tpu.memory_space<vmem>>, vector<1x16xf32>
      %get3A_74 = arith.constant 2 : index
      %get3A_75 = arith.constant 0 : index
      %get3A_76 = vector.load %arg4[%get3A_74, %get3A_75] : memref<3x16xf32, #tpu.memory_space<vmem>>, vector<1x16xf32>
      %max3A_77 = arith.constant 1.000000e+00 : f32
      %max3A_78 = vector.broadcast %max3A_77 : f32 to vector<1x16xf32>
      %max3A_79 = arith.maximumf %get3A_70, %max3A_78 : vector<1x16xf32>
      %gt3A = arith.constant 0.000000e+00 : f32
      %gt3A_80 = vector.broadcast %gt3A : f32 to vector<1x16xf32>
      %gt3A_81 = arith.cmpf ogt, %get3A_70, %gt3A_80 : vector<1x16xf32>
      %div3A_82 = arith.divf %get3A_73, %max3A_79 : vector<1x16xf32>
      %jit3A_83 = arith.constant 0.000000e+00 : f32
      %broadcast_in_dim3A_84 = vector.broadcast %jit3A_83 : f32 to vector<1x16xf32>
      %select_n3A = arith.select %gt3A_81, %div3A_82, %broadcast_in_dim3A_84 : vector<1x16xi1>, vector<1x16xf32>
      %gt3A_85 = arith.constant 0.000000e+00 : f32
      %gt3A_86 = vector.broadcast %gt3A_85 : f32 to vector<1x16xf32>
      %gt3A_87 = arith.cmpf ogt, %get3A_70, %gt3A_86 : vector<1x16xf32>
      %div3A_88 = arith.divf %get3A_76, %max3A_79 : vector<1x16xf32>
      %jit3A_89 = arith.constant 0.000000e+00 : f32
      %broadcast_in_dim3A_90 = vector.broadcast %jit3A_89 : f32 to vector<1x16xf32>
      %select_n3A_91 = arith.select %gt3A_87, %div3A_88, %broadcast_in_dim3A_90 : vector<1x16xi1>, vector<1x16xf32>
      %sub3A = arith.subf %select_n3A, %select_n3A_91 : vector<1x16xf32>
      %abs3A = math.absf %sub3A : vector<1x16xf32>
      %mul3A_92 = arith.mulf %get3A_70, %abs3A : vector<1x16xf32>
      %reduce_sum3A_93 = vector.shape_cast %mul3A_92 : vector<1x16xf32> to vector<1x1x16xf32>
      %reduce_sum3A_94 = arith.constant dense<0.000000e+00> : vector<1xf32>
      %reduce_sum3A_95 = vector.multi_reduction <add>, %reduce_sum3A_93, %reduce_sum3A_94 [1, 2] : vector<1x1x16xf32> to vector<1xf32>
      %reduce_sum3A_96 = vector.shape_cast %reduce_sum3A_95 : vector<1xf32> to vector<1x1x1xf32>
      %reduce_sum3A_97 = vector.extract %reduce_sum3A_96[0, 0, 0] : f32 from vector<1x1x1xf32>
      %broadcast_in_dim3A_98 = vector.broadcast %reduce_sum3A_97 : f32 to vector<1x1xf32>
      %reduce_sum3A_99 = vector.shape_cast %get3A_70 : vector<1x16xf32> to vector<1x1x16xf32>
      %reduce_sum3A_100 = arith.constant dense<0.000000e+00> : vector<1xf32>
      %reduce_sum3A_101 = vector.multi_reduction <add>, %reduce_sum3A_99, %reduce_sum3A_100 [1, 2] : vector<1x1x16xf32> to vector<1xf32>
      %reduce_sum3A_102 = vector.shape_cast %reduce_sum3A_101 : vector<1xf32> to vector<1x1x1xf32>
      %reduce_sum3A_103 = vector.extract %reduce_sum3A_102[0, 0, 0] : f32 from vector<1x1x1xf32>
      %broadcast_in_dim3A_104 = vector.broadcast %reduce_sum3A_103 : f32 to vector<1x1xf32>
      %div3A_105 = arith.divf %broadcast_in_dim3A_98, %broadcast_in_dim3A_104 : vector<1x1xf32>
      %swap3A_106 = arith.constant 0 : index
      %swap3A_107 = arith.constant 0 : index
      %swap3A_108 = vector.load %arg3[%swap3A_106, %swap3A_107] : memref<1x1xf32, #tpu.memory_space<vmem>>, vector<1x1xf32>
      tpu.vector_store %arg3[%swap3A_106, %swap3A_107], %div3A_105 {strides = array<i32>} : memref<1x1xf32, #tpu.memory_space<vmem>>, vector<1x1xf32>,
    } else {
    }
    return
  }
  func.func @transform_0(%arg0: i32) -> (i32, i32) {
    %c0_i32 = arith.constant 0 : i32
    %c0_i32_0 = arith.constant 0 : i32
    return %arg0, %c0_i32 : i32, i32
  }
  func.func @transform_1(%arg0: i32) -> (i32, i32, i32) {
    %c0_i32 = arith.constant 0 : i32
    %c0_i32_0 = arith.constant 0 : i32
    %c0_i32_1 = arith.constant 0 : i32
    return %arg0, %c0_i32, %c0_i32_0 : i32, i32, i32
  }
  func.func @transform_2(%arg0: i32) -> (i32, i32) {
    %c0_i32 = arith.constant 0 : i32
    %c0_i32_0 = arith.constant 0 : i32
    %c0_i32_1 = arith.constant 0 : i32
    return %c0_i32, %c0_i32_0 : i32, i32
  }
}

</mosaic_0001>

<sc_bundles>
// kernel: kernel.4.cloned.1.call-start
scs
__scs_entry_jumppad:
0x0: {  	(pc) =	sbr.rel $0x88, $3  }
0x1: {  	(tag) =	ssettag $0x0;
	lr =	simm.s32 $0x1  }
0x2: {  	[smem:$0x3F9F] =	sst lr;
	_ =	strace $0xD0000000  }
0x3: {  	_ = 	snop  }
0x4: {  	_ = 	snop  }
0x5: {  	_ = 	snop  }
0x6: {  	_ = 	snop  }
0x7: {  	_ = 	snop  }
__scs_overlays_trampoline_lowered:
0x8: {  	[smem:$0x3FAE] =	sst s0  }
0x9: {  	[smem:$0x3FAF] =	sst s1  }
0xa: {  	[smem:$0x3FB0] =	sst s2  }
0xb: {  	[smem:$0x3FB1] =	sst s3  }
0xc: {  	[smem:$0x3FB2] =	sst s4  }
0xd: {  	[smem:$0x3FB3] =	sst s5  }
0xe: {  	[smem:$0x3FB4] =	sst s6  }
0xf: {  	[smem:$0x3FB5] =	sst s7  }
0x10: {  	[smem:$0x3FB6] =	sst s8  }
0x11: {  	[smem:$0x3FB7] =	sst s9;
	s0 =	simm.s32 @!p0 $0x0  }
0x12: {  	s1 =	sld [smem:$0x3F9D];
	s0 =	simm.s32 @p0 $0x1  }
0x13: {  	[smem:$0x3FB8] =	sst s0;
	s0 =	simm.s32 @!p1 $0x0  }
0x14: {  	s2 =	sld [smem:$0x3F9C];
	s0 =	simm.s32 @p1 $0x1  }
0x15: {  	[smem:$0x3FB9] =	sst s0;
	s0 =	simm.s32 @!p2 $0x0  }
0x16: {  	s3 =	sld [smem:$0x3FDB];
	s0 =	simm.s32 @p2 $0x1  }
0x17: {  	s4 =	simm.s32 $0x1BF5;
	[smem:$0x3FBB] =	sst s0  }
0x18: {  	s0 =	sld [smem:$0x3F9E];
	_ =	swait.ge [sflag:s4], $0x0  }
0x19: {  	s7 =	sld [smem:$0x3F9F]  }
0x1a: {  	s8 =	sadd.s32 $0xFFFFE003, lr  }
0x1b: {  	s9 =	sadd.s32 $0xFFFFFEF7, lr;
	s5 =	simm.s32 $0xFFFFFFFF;
	p2 =	slt.u32 s8, $0xFFFFF086  }
0x1c: {  	p1 =	slt.u32 s9, $0xF7A;
	s5 =	simm.s32 @!p2 $0x0  }
0x1d: {  	s5 =	simm.s32 @p1 $0x1;
	p0 =	seq.s32 s7, s2  }
0x1e: {  	s7 =	smul.u32 @!p0 $0xF7A, s2;
	p2 =	seq.s32 @!p0 s5, $0x0  }
0x1f: {  	s9 =	smul.u32 $0xF7A, s1;
	s8 =	simm.s32 @!p0 $0x1BF5;
	p2 =	por !p2, p0  }
0x20: {  	[sflag:s8] =	ssyncset.s32 @!p0 $0xFFFFF086;
	s6 =	sadd.s32 @!p0 s3, s7;
	s7 =	simm.s32 @!p0 $0x108  }
0x21: {  	s3 =	sadd.s32 s3, s9;
	s6 =	sadd.s32 @!p0 $0x88, s6;
	s7 =	simm.s32 @p2 $0x1082  }
0x22: {  	[simem:s7], [sflag:s8] =	dma.local @!p0 [hbm:s6], $0xF7A  }
0x23: {  	s9 =	sor.u32 $0xD0000000, s2;
	s6 =	simm.s32 $0x108;
	_ =	swait.ge @!p0 [sflag:s8], $0x0  }
0x24: {  	s3 =	sadd.s32 $0x88, s3;
	s6 =	simm.s32 @!p1 $0x1082;
	[sflag:s4] =	ssyncset.s32 $0xFFFFF086  }
0x25: {  	[simem:s6], [sflag:s4] =	dma.local [hbm:s3], $0xF7A  }
0x26: {  	[smem:$0x3F9F] =	sst s1;
	(tag) =	ssettag s2;
	_ =	strace s9  }
0x27: {  	s1 =	sld [smem:$0x3FAF]  }
0x28: {  	s2 =	sld [smem:$0x3FB0]  }
0x29: {  	s4 =	sld [smem:$0x3FB2]  }
0x2a: {  	p0 =	seq.s32 s5, $0x0;
	s5 =	sld [smem:$0x3FB3]  }
0x2b: {  	s6 =	sld [smem:$0x3FB4]  }
0x2c: {  	s7 =	sld [smem:$0x3FB5]  }
0x2d: {  	s3 =	simm.s32 $0x108;
	s8 =	sld [smem:$0x3FB6]  }
0x2e: {  	s3 =	simm.s32 @!p0 $0x1082;
	s9 =	sld [smem:$0x3FB7]  }
0x2f: {  	lr =	sadd.s32 s0, s3;
	s0 =	sld [smem:$0x3FAE]  }
0x30: {  	s3 =	sld [smem:$0x3FB1]  }
0x31: {  	[smem:$0x3FBA] =	sst s10  }
0x32: {  	s10 =	sld [smem:$0x3FB8];
	_ =	sdelay $0x3  }
0x33: {  	p0 =	seq.s32 s10, $0x1;
	s10 =	sld [smem:$0x3FBA];
	_ =	sdelay $0x3  }
0x34: {  	[smem:$0x3FBA] =	sst s10  }
0x35: {  	s10 =	sld [smem:$0x3FB9];
	_ =	sdelay $0x3  }
0x36: {  	p1 =	seq.s32 s10, $0x1;
	s10 =	sld [smem:$0x3FBA];
	_ =	sdelay $0x3  }
0x37: {  	[smem:$0x3FBA] =	sst s10  }
0x38: {  	s10 =	sld [smem:$0x3FBB]  }
0x39: {  	_ = 	snop;
	(pc) =	sbr.ind lr, $3  }
0x3a: {  	_ = 	snop  }
0x3b: {  	_ = 	snop  }
0x3c: {  	p2 =	seq.s32 s10, $0x1;
	s10 =	sld [smem:$0x3FBA]  }
0x3d: {  	_ =	shalt  }
0x3e: {  	_ =	shalt  }
0x3f: {  	_ =	shalt  }
0x40: {  	_ =	shalt  }
0x41: {  	_ =	shalt  }
0x42: {  	_ =	shalt  }
0x43: {  	_ =	shalt  }
0x44: {  	_ =	shalt  }
0x45: {  	_ =	shalt  }
0x46: {  	_ =	shalt  }
0x47: {  	_ =	shalt  }
0x48: {  	_ =	shalt  }
0x49: {  	_ =	shalt  }
0x4a: {  	_ =	shalt  }
0x4b: {  	_ =	shalt  }
0x4c: {  	_ =	shalt  }
0x4d: {  	_ =	shalt  }
0x4e: {  	_ =	shalt  }
0x4f: {  	_ =	shalt  }
0x50: {  	_ =	shalt  }
0x51: {  	_ =	shalt  }
0x52: {  	_ =	shalt  }
0x53: {  	_ =	shalt  }
0x54: {  	_ =	shalt  }
0x55: {  	_ =	shalt  }
0x56: {  	_ =	shalt  }
0x57: {  	_ =	shalt  }
0x58: {  	_ =	shalt  }
0x59: {  	_ =	shalt  }
0x5a: {  	_ =	shalt  }
0x5b: {  	_ =	shalt  }
0x5c: {  	_ =	shalt  }
0x5d: {  	_ =	shalt  }
0x5e: {  	_ =	shalt  }
0x5f: {  	_ =	shalt  }
0x60: {  	_ =	shalt  }
0x61: {  	_ =	shalt  }
0x62: {  	_ =	shalt  }
0x63: {  	_ =	shalt  }
0x64: {  	_ =	shalt  }
0x65: {  	_ =	shalt  }
0x66: {  	_ =	shalt  }
0x67: {  	_ =	shalt  }
0x68: {  	_ =	shalt  }
0x69: {  	_ =	shalt  }
0x6a: {  	_ =	shalt  }
0x6b: {  	_ =	shalt  }
0x6c: {  	_ =	shalt  }
0x6d: {  	_ =	shalt  }
0x6e: {  	_ =	shalt  }
0x6f: {  	_ =	shalt  }
0x70: {  	_ =	shalt  }
0x71: {  	_ =	shalt  }
0x72: {  	_ =	shalt  }
0x73: {  	_ =	shalt  }
0x74: {  	_ =	shalt  }
0x75: {  	_ =	shalt  }
0x76: {  	_ =	shalt  }
0x77: {  	_ =	shalt  }
0x78: {  	_ =	shalt  }
0x79: {  	_ =	shalt  }
0x7a: {  	_ =	shalt  }
0x7b: {  	_ =	shalt  }
0x7c: {  	_ =	shalt  }
0x7d: {  	_ =	shalt  }
0x7e: {  	_ =	shalt  }
0x7f: {  	_ =	shalt  }
0x80: {  	_ =	shalt  }
0x81: {  	_ =	shalt  }
0x82: {  	_ =	shalt  }
0x83: {  	_ =	shalt  }
0x84: {  	_ =	shalt  }
0x85: {  	_ =	shalt  }
0x86: {  	_ =	shalt  }
0x87: {  	_ =	shalt  }
.Lfunc_end0:
.L_simem_size_0:
called_computation_lowered:
.L_overlay_start_0:
0x88: {  	s0 =	sld [smem:$0x3FD9]  }
0x89: {  	s1 =	sld [smem:$0x3FFE];
	_ =	sdelay $0x3  }
0x8a: {  	s0 =	sadd.s32 s1, s0  }
0x8b: {  	[smem:$0x3FC6] =	sst s0  }
0x8c: {  	_ = 	snop  }
0x8d: {  	s0 =	sld [smem:$0x3FC8];
	(tm) =	ssettm $0x1  }
0x8e: {  	s16 =	sld [smem:$0x3FFB];
	_ =	sdelay $0x3  }
0x8f: {  	_ =	strace s16  }
0x90: {  	s1 =	sld [smem:$0x3FFC];
	_ =	sdelay $0x3  }
0x91: {  	_ =	strace s1  }
0x92: {  	s1 =	sld [smem:$0x3FFD];
	_ =	sdelay $0x3  }
0x93: {  	_ =	strace s1  }
0x94: {  	_ =	strace $0x8FFFFFFF  }
0x95: {  	s17 =	sld [smem:$0x3FDB];
	_ =	sdelay $0x1  }
0x96: {  	s2 =	simm.s32 $_scs_section_size  }
0x97: {  	s3 =	simm.s32 $_size__tile_overlayer_lowered;
	s4 =	simm.s32 $_tile_overlayer_lowered  }
0x98: {  	s20 =	simm.s32 $0x1BFF;
	s19 =	sshll.u32 s4, $0x1;
	s1 =	sadd.s32 s2, s17  }
0x99: {  	s5 =	simm.s32 $0x0;
	s18 =	sshll.u32 s3, $0x1;
	s3 =	sadd.s32 s19, s1  }
0x9a: {  	[timem:s5], [sflag:s20] =	dma.local [hbm:s3], s18  }
0x9b: {  	_ =	swait.ge [sflag:s20], s18  }
0x9c: {  	s2 =	ssub.s32 $0x0, s18;
	[sflag:s20] =	ssyncset.done $0x0  }
0x9d: {  	[sflag:s20] =	ssyncadd.s32 s2;
	_ =	sdelay $0x1  }
0x9e: {  	s21 =	simm.s32 $0x1B8B  }
0x9f: {  	_ =	swait.ge [sflag:s21], $0x1  }
0xa0: {  	[sflag:s21] =	ssyncset.done $0x0  }
0xa1: {  	s23 =	simm.s32 $0x1B8E;
	s22 =	sld [smem:$0x3FFE];
	[sflag:s21] =	ssyncadd.s32 $0xFFFFFFFF  }
0xa2: {  	s24 =	simm.s32 $execute0_lowered;
	[smem:$0x3FD2] =	sst s23  }
0xa3: {  	s3 =	sshll.u32 s24, $0x1;
	_ =	strace $0x80000046;
	[dreg:$0x1] =	wrdreg $0xFFFFFFFF  }
0xa4: {  	s25 =	simm.s32 $_size_execute0_lowered;
	s1 =	sadd.s32 s1, s3;
	[dreg:$0x0] =	wrdreg $0x0  }
0xa5: {  	s3 =	sshll.u32 s25, $0x1;
	[dreg:$0x2] =	wrdreg s1  }
0xa6: {  	[dreg:$0x3] =	wrdreg s3  }
0xa7: {  	[dreg:$0x4] =	wrdreg $0xC0  }
0xa8: {  	_ =	task [dreg:s5], $0x5FFFF  }
0xa9: {  	[dreg:$0x1] =	wrdreg $0xFFFFFFFF  }
0xaa: {  	[dreg:$0x0] =	wrdreg $0x60  }
0xab: {  	[dreg:$0x2] =	wrdreg s22  }
0xac: {  	[dreg:$0x3] =	wrdreg s0  }
0xad: {  	[dreg:$0x4] =	wrdreg $0x9  }
0xae: {  	_ =	task.clear_ibuf [dreg:s5], $0x5FFFF;
	_ =	strace $0x90000046  }
0xaf: {  	s26 =	simm.s32 $0x9;
	_ =	strace $0x80000048  }
0xb0: {  	_ =	swait.ge [sflag:s26], $0x1  }
0xb1: {  	[sflag:s26] =	ssyncadd.s32 $0xFFFFFFFF  }
0xb2: {  	_ =	strace $0x90000048  }
0xb3: {  	_ =	sfence  }
0xb4: {  	s28 =	sld [smem:$0x0];
	_ =	sdelay $0x1  }
0xb5: {  	s29 =	srdreg.scid  }
0xb6: {  	s30 =	sshll.u32 s29, $0xD;
	s31 =	sshrl.u32 s29, $0x2  }
0xb7: {  	s2 =	sand.u32 $0x4000, s30;
	s1 =	sand.u32 $0x1, s29;
	s0 =	sadd.s32 s31, s28  }
0xb8: {  	s1 =	sor.u32 s2, s1;
	s0 =	sshll.u32 s0, $0x11  }
0xb9: {  	s0 =	sor.u32 s0, s1  }
0xba: {  	s0 =	sadd.s32 $0x8F2B, s0  }
0xbb: {  	[sflag:s0] =	ssyncadd.remote.s32 $0x1  }
0xbc: {  	_ =	sfence.sel $0xFFFF  }
0xbd: {  	[dreg:$0x0] =	wrdreg $0xFFFFFFFF;
	(pc) =	sbr.abs _section_cstart, $3  }
0xbe: {  	[dreg:$0x1] =	wrdreg $0xFFFFFFFF  }
0xbf: {  	_ =	task.clear_ibuf [dreg:s5], $0x2FFFF;
	_ =	strace $0x9FFFFFFF  }
0xc0: {  	(tm) =	ssettm $0x7FFFFFFF  }
0xc1: {  	_ =	shalt  }
tec
execute0_lowered:
.L_overlay_start_1:
0x0: {  	(tag) =	ssettag $0x1  }
0x1: {  	s3 =	rddreg [dreg:$0x0]  }
0x2: {  	s4 =	rddreg [dreg:$0x1]  }
0x3: {  	s0 =	rddreg [dreg:$0x2];
	s5 =	simm.s32 $0x0;
	s1 =	stileid.u32  }
0x4: {  	s6 =	simm.s32 $0x2;
	[smem:$0x7FF] =	sst s5;
	s2 =	sshll.u32 s1, $0x7  }
0x5: {  	s9 =	simm.s32 $0x0;
	_ =	strace $0x80000047;
	s4 =	sadd.s32 s4, s2  }
0x6: {  	[tilespmem:s5], [sflag:$0x2] =	stream.linear.gather [hbm4b:s4+s5], $0x400, $0x38;
	[tilespmem:$0xC00] =	vst v63  }
0x7: {  	s8 =	simm.s32 $0x40;
	s7 =	sshll.u32 s1, $0xA;
	_ =	swait.ge [sflag:s6], $0x400  }
0x8: {  	v0 =	vlaneseq.u32;
	s10 =	sadd.s32 $0x0, s7;
	s4 =	sadd.s32 $0x200400, s3;
	[sflag:s6] =	ssyncset.done $0x0  }
0x9: {  	v0 =	vmul.u32 $0x3E8, v0;
	s3 =	sadd.s32 $0x3F4400, s3;
	[sflag:s6] =	ssyncadd.s32 $0xFFFFFC00;
	s6 =	simm.s32 $0x0  }
.LBB2_1:
0xa: {  	p0 =	sne.s32 s8, $0xFC0;
	v1 =	vld [tilespmem:s9+$0x0];
	v2 =	vmov s10  }
0xb: {  	v2 =	vmul.u32 $0x3E8, v2;
	_ =	sdelay $0x1  }
.Ltmp0:
0xc: {  	v2 =	vbroadcast v2, $0x0;
	(pc) =	sbr.rel @p0 .LBB2_1-.Ltmp0, $4  }
0xd: {  	s9 =	sand.u32 $0xE00, s5;
	s5 =	smov.u32 s8  }
0xe: {  	s10 =	sand.u32 $0x70, s6;
	s9 =	sshrl.u32 s9, $0x2;
	v1 =	vadd.s32 v1, v2  }
0xf: {  	s6 =	sadd.s32 $0x10, s6;
	s11 =	sor.u32 s10, s9;
	v1 =	vadd.s32 v0, v1  }
0x10: {  	s8 =	sadd.s32 $0x40, s8;
	s9 =	sshra.s32 s5, $0x2;
	s10 =	sadd.s32 s6, s7;
	[tilespmem:s11+$0x400] =	vst v1  }
0x11: {  	v1 =	vld [tilespmem:s9+$0x0];
	v2 =	vmov s10  }
0x12: {  	v2 =	vmul.u32 $0x3E8, v2;
	_ =	sdelay $0x1  }
0x13: {  	v2 =	vbroadcast v2, $0x0  }
0x14: {  	s5 =	sand.u32 $0xE00, s5  }
0x15: {  	s6 =	sand.u32 $0x70, s6;
	s5 =	sshrl.u32 s5, $0x2;
	v1 =	vadd.s32 v1, v2  }
0x16: {  	s5 =	sor.u32 s6, s5;
	v0 =	vadd.s32 v0, v1  }
0x17: {  	s13 =	simm.s32 $0x80;
	s14 =	simm.s32 $0x400;
	s7 =	simm.s32 $0x800;
	[tilespmem:s5+$0x400] =	vst v0  }
0x18: {  	[tilespmem:s7], [sflag:$0x1] =	stream.indirect.gather [hbm4b:s4+s13], $0x1, s14, s13, $0xb8;
	[tilespmem:$0xC00] =	vst v63  }
0x19: {  	s15 =	simm.s32 $0x480;
	s8 =	simm.s32 $0x880  }
0x1a: {  	[tilespmem:s8], [sflag:$0x1] =	stream.indirect.gather [hbm4b:s4+s13], $0x1, s15, s13, $0xb8;
	[tilespmem:$0xC00] =	vst v63  }
0x1b: {  	s16 =	simm.s32 $0x500;
	s17 =	simm.s32 $0x900  }
0x1c: {  	[tilespmem:s17], [sflag:$0x1] =	stream.indirect.gather [hbm4b:s4+s13], $0x1, s16, s13, $0xb8;
	[tilespmem:$0xC00] =	vst v63  }
0x1d: {  	s18 =	simm.s32 $0x580;
	s19 =	simm.s32 $0x980  }
0x1e: {  	[tilespmem:s19], [sflag:$0x1] =	stream.indirect.gather [hbm4b:s4+s13], $0x1, s18, s13, $0xb8;
	[tilespmem:$0xC00] =	vst v63  }
0x1f: {  	s20 =	simm.s32 $0x600;
	s21 =	simm.s32 $0xA00  }
0x20: {  	[tilespmem:s21], [sflag:$0x1] =	stream.indirect.gather [hbm4b:s4+s13], $0x1, s20, s13, $0xb8;
	[tilespmem:$0xC00] =	vst v63  }
0x21: {  	s22 =	simm.s32 $0x680;
	s23 =	simm.s32 $0xA80  }
0x22: {  	[tilespmem:s23], [sflag:$0x1] =	stream.indirect.gather [hbm4b:s4+s13], $0x1, s22, s13, $0xb8;
	[tilespmem:$0xC00] =	vst v63  }
0x23: {  	s24 =	simm.s32 $0x700;
	s25 =	simm.s32 $0xB00  }
0x24: {  	[tilespmem:s25], [sflag:$0x1] =	stream.indirect.gather [hbm4b:s4+s13], $0x1, s24, s13, $0xb8;
	[tilespmem:$0xC00] =	vst v63  }
0x25: {  	s26 =	simm.s32 $0x780;
	s28 =	simm.s32 $0xB80;
	s29 =	simm.s32 $0x1  }
0x26: {  	[tilespmem:s28], [sflag:$0x1] =	stream.indirect.gather [hbm4b:s4+s13], $0x1, s26, s13, $0xb8;
	[tilespmem:$0xC00] =	vst v63  }
0x27: {  	_ =	swait.ge [sflag:s29], $0x80  }
0x28: {  	[sflag:s29] =	ssyncset.done $0x0  }
0x29: {  	[sflag:s29] =	ssyncadd.s32 $0xFFFFFF80  }
0x2a: {  	_ =	swait.ge [sflag:s29], $0x80  }
0x2b: {  	[sflag:s29] =	ssyncset.done $0x0  }
0x2c: {  	[sflag:s29] =	ssyncadd.s32 $0xFFFFFF80  }
0x2d: {  	_ =	swait.ge [sflag:s29], $0x80  }
0x2e: {  	[sflag:s29] =	ssyncset.done $0x0  }
0x2f: {  	[sflag:s29] =	ssyncadd.s32 $0xFFFFFF80  }
0x30: {  	_ =	swait.ge [sflag:s29], $0x80  }
0x31: {  	[sflag:s29] =	ssyncset.done $0x0  }
0x32: {  	[sflag:s29] =	ssyncadd.s32 $0xFFFFFF80  }
0x33: {  	_ =	swait.ge [sflag:s29], $0x80  }
0x34: {  	[sflag:s29] =	ssyncset.done $0x0  }
0x35: {  	[sflag:s29] =	ssyncadd.s32 $0xFFFFFF80  }
0x36: {  	_ =	swait.ge [sflag:s29], $0x80  }
0x37: {  	[sflag:s29] =	ssyncset.done $0x0  }
0x38: {  	[sflag:s29] =	ssyncadd.s32 $0xFFFFFF80  }
0x39: {  	_ =	swait.ge [sflag:s29], $0x80  }
0x3a: {  	[sflag:s29] =	ssyncset.done $0x0  }
0x3b: {  	[sflag:s29] =	ssyncadd.s32 $0xFFFFFF80  }
0x3c: {  	_ =	swait.ge [sflag:s29], $0x80  }
0x3d: {  	s2 =	sadd.s32 s3, s2;
	[sflag:s29] =	ssyncset.done $0x0  }
0x3e: {  	s30 =	simm.s32 $0x0;
	s31 =	simm.s32 $0x2;
	[sflag:s29] =	ssyncadd.s32 $0xFFFFFF80  }
0x3f: {  	[hbm4b:s2+s30] =	stream.linear.scatter [tilespmem:s7], [sflag:$0x2], $0x400, $0x38;
	[tilespmem:$0xC00] =	vst v63  }
0x40: {  	_ =	swait.ge [sflag:s31], $0x400  }
0x41: {  	[sflag:s31] =	ssyncset.done $0x0  }
0x42: {  	[sflag:s31] =	ssyncadd.s32 $0xFFFFFC00  }
0x43: {  	_ =	sfence.sel $0x180000  }
0x44: {  	[bflag:$0x0] =	sbarrier.arrive $0xFFFF  }
0x45: {  	p0 =	sne.s32 s1, $0x0;
	_ =	strace $0x90000047  }
0x46: {  	s0 =	sadd.s32 @!p0 $0x100000, s0;
	[bflag:$0x2] =	sbarrier.arrive $0xFFFF  }
0x47: {  	[sflag:s0] =	ssyncadd.tile.s32 @!p0 $0x1;
	_ =	shalt  }
.Lfunc_end2:
_tile_overlayer_lowered:
.L_overlay_start_2:
0x48: {  	(tag) =	ssettag $0x2  }
0x49: {  	s0 =	rddreg [dreg:$0x0];
	s2 =	stileid.u32  }
0x4a: {  	s1 =	rddreg [dreg:$0x1];
	p0 =	sne.s32 s2, $0x0  }
0x4b: {  	s3 =	rddreg [dreg:$0x2];
	[bflag:$0x3] =	sbarrier.arrive $0xFFFF;
	s2 =	simm.s32 @!p0 $0x1C02  }
0x4c: {  	[timem:s3], [sflag:s2] =	dma.local @!p0 [hbm:s0], s1  }
0x4d: {  	s0 =	simm.s32 @!p0 $0x2  }
0x4e: {  	_ =	swait.ge @!p0 [sflag:s0], s1  }
0x4f: {  	s1 =	ssub.s32 @!p0 $0x0, s1;
	[sflag:s0] =	ssyncset.done @!p0 $0x0  }
0x50: {  	[sflag:s0] =	ssyncadd.s32 @!p0 s1  }
0x51: {  	[bflag:$0x3] =	sbarrier.arrive $0xFFFF  }
0x52: {  	_ =	shalt  }

</sc_bundles>
